<compile_context>
chip_gen: v7x
topology: tpu7x:2x2x1
jax: 0.10.2.dev20260603
libtpu: 0.0.44.dev20260713+nightly
codegen_flags: <defaults>
</compile_context>

<pallas_src>
import dataclasses
import functools

import jax
import jax.numpy as jnp
from jax import lax
from jax.experimental import pallas as pl
from jax.experimental.pallas import tpu as pltpu
from jax.experimental.pallas import tpu_sc as plsc

_BATCH = 16384
_EMB = 32
_OUT = 64
_NCROP = 4
_NYEAR = 6

_NC, _NS = 2, 16
_NW = _NC * _NS
_BPW = _BATCH // _NW

_BB = 4096
_SIDE = 16


_SC_PARAMS = pltpu.CompilerParams()
if "needs_layout_passes" in pltpu.CompilerParams.__dataclass_fields__:
    _SC_PARAMS = dataclasses.replace(_SC_PARAMS, needs_layout_passes=False)


def _tr_body(t_ref, o_ref):
    for mm in range(8):
        blk = t_ref[:, pl.ds(mm * 1024, 1024)]
        o_ref[pl.ds((mm // 4) * 1024, 1024),
              (mm % 4) * _EMB:(mm % 4 + 1) * _EMB] = jnp.transpose(blk)


def _tc_transpose(tableT):
    return pl.pallas_call(
        _tr_body,
        grid=(13,),
        in_specs=[pl.BlockSpec((_EMB, 8192), lambda i: (0, i))],
        out_specs=pl.BlockSpec((2048, 4 * _EMB), lambda i: (i, 0)),
        out_shape=jax.ShapeDtypeStruct((26624, 4 * _EMB), jnp.float32),
    )(tableT)


def _sc_gather_sidecar(table4, rowidx, packed, gs):
    mesh = plsc.VectorSubcoreMesh(core_axis_name="c", subcore_axis_name="s")

    @functools.partial(
        pl.kernel,
        mesh=mesh,
        compiler_params=_SC_PARAMS,
        out_type=[
            jax.ShapeDtypeStruct((_BATCH, 4 * _EMB), jnp.float32),
            jax.ShapeDtypeStruct((_BATCH, _SIDE), jnp.float32),
        ],
        scratch_types=[
            pltpu.VMEM((_BPW,), jnp.int32),
            pltpu.VMEM((_BPW,), jnp.int32),
            pltpu.VMEM((_BPW,), jnp.float32),
            pltpu.VMEM((_BPW // 2, 4 * _EMB), jnp.float32),
            pltpu.VMEM((_BPW, _SIDE), jnp.float32),
            pltpu.SemaphoreType.DMA,
        ],
    )
    def k(table_hbm, ri_hbm, pk_hbm, gs_hbm, rows_hbm, side_hbm,
          ri_v, pk_v, gs_v, rows_v, side_v, sem):
        wid = lax.axis_index("s") * _NC + lax.axis_index("c")
        base = wid * _BPW
        pltpu.sync_copy(ri_hbm.at[pl.ds(base, _BPW)], ri_v)
        pltpu.sync_copy(pk_hbm.at[pl.ds(base, _BPW)], pk_v)
        pltpu.sync_copy(gs_hbm.at[pl.ds(base, _BPW)], gs_v)

        @pl.loop(0, _BPW)
        def _(i):
            side_v[i, :] = jnp.zeros((_SIDE,), jnp.float32)

        ones = jnp.ones((16,), jnp.float32)
        iota = lax.iota(jnp.int32, 16)
        col14 = jnp.full((16,), 14, jnp.int32)
        m4 = jnp.full((16,), 15, jnp.int32)

        @pl.loop(0, _BPW, step=16)
        def _(c):
            row = iota + c
            pk = pk_v[pl.ds(c, 16)]
            plsc.store_scatter(side_v, [row, jnp.bitwise_and(pk, m4)], ones)
            plsc.store_scatter(
                side_v,
                [row, jnp.bitwise_and(lax.shift_right_logical(pk, 4), m4)],
                ones)
            plsc.store_scatter(side_v, [row, lax.shift_right_logical(pk, 8)],
                               ones)
            plsc.store_scatter(side_v, [row, col14], gs_v[pl.ds(c, 16)])

        half = _BPW // 2
        for hh in range(2):
            pltpu.async_copy(table_hbm.at[ri_v.at[pl.ds(hh * half, half)]],
                             rows_v, sem).wait()
            pltpu.sync_copy(rows_v, rows_hbm.at[pl.ds(base + hh * half, half)])
        pltpu.sync_copy(side_v, side_hbm.at[pl.ds(base, _BPW)])

    return k(table4, rowidx, packed, gs)


def _mlp_body(rows_ref, side_ref, ct_ref, yt_ref, w1_ref, b1_ref, w2_ref,
              b2_ref, o_ref):
    rows = rows_ref[...]
    side = side_ref[...]
    w1 = w1_ref[...]

    lane = lax.broadcasted_iota(jnp.int32, (4, 4 * _EMB), 1) >> 5
    blkid = lax.broadcasted_iota(jnp.int32, (4, 4 * _EMB), 0)
    expand = (lane == blkid).astype(jnp.float32)
    bigmask = jnp.dot(side[:, 0:4], expand,
                      preferred_element_type=jnp.float32)
    w1rep = jnp.concatenate([w1[0:_EMB]] * 4, axis=0)
    h = jnp.dot(rows * bigmask, w1rep, preferred_element_type=jnp.float32)
    cw = jnp.dot(ct_ref[...], w1[_EMB:2 * _EMB],
                 preferred_element_type=jnp.float32)
    h += jnp.dot(side[:, 4:4 + _NCROP], cw, preferred_element_type=jnp.float32)
    yw = jnp.dot(yt_ref[...], w1[2 * _EMB:3 * _EMB],
                 preferred_element_type=jnp.float32)
    h += jnp.dot(side[:, 8:8 + _NYEAR], yw, preferred_element_type=jnp.float32)
    h += side[:, 14:15] * w1[3 * _EMB:3 * _EMB + 1]
    h = jnp.maximum(h + b1_ref[...], 0.0)
    h = jnp.dot(h, w2_ref[...], preferred_element_type=jnp.float32)
    h = jnp.maximum(h + b2_ref[...], 0.0)
    o_ref[...] = h


def _tc_mlp(rows, side, ct, yt, w1, b1, w2, b2):
    grid = (_BATCH // _BB,)
    batch_spec = lambda cols: pl.BlockSpec((_BB, cols), lambda i: (i, 0))
    const_spec = lambda shape: pl.BlockSpec(shape, lambda i: (0, 0))
    return pl.pallas_call(
        _mlp_body,
        grid=grid,
        in_specs=[
            batch_spec(4 * _EMB),
            batch_spec(_SIDE),
            const_spec((_NCROP, _EMB)),
            const_spec((_NYEAR, _EMB)),
            const_spec((3 * _EMB + 1, _OUT)),
            const_spec((1, _OUT)),
            const_spec((_OUT, _OUT)),
            const_spec((1, _OUT)),
        ],
        out_specs=batch_spec(_OUT),
        out_shape=jax.ShapeDtypeStruct((_BATCH, _OUT), jnp.float32),
    )(rows, side, ct, yt, w1, b1, w2, b2)


def kernel(fips_idx, crop_idx, year_idx, growth_stage, fips_table, crop_table,
           year_table, W1, b1, W2, b2):
    fi = fips_idx.astype(jnp.int32)
    rowidx = ((fi >> 12) << 10) | (fi & 1023)
    packed = ((fi >> 10) & 3) | ((crop_idx + 4) << 4) | ((year_idx + 8) << 8)
    gsa = jnp.abs(growth_stage)
    table4 = _tc_transpose(fips_table.T)
    rows, side = _sc_gather_sidecar(table4, rowidx, packed, gsa)
    return _tc_mlp(
        rows,
        side,
        crop_table,
        year_table,
        W1,
        b1.reshape(1, _OUT),
        W2,
        b2.reshape(1, _OUT),
    )

# --- scband reference (transcript-rebuilt; emitter-appended) ---
"""Pipeline reference for scband-metadata-processor-61065845014647 (READ-ONLY COPY).

The authoritative reference and input builder live on the scoring server;
editing this copy changes nothing except your own understanding.
"""

import jax, jax.numpy as jnp
import numpy as np

NUM_FIPS = 100000
NUM_CROPS = 4
NUM_YEARS = 6
EMB = 32
OUT = 64
BATCH = 16384


def setup_inputs(seed: int = 0) -> dict:
    key = jax.random.key(seed)
    ks = jax.random.split(key, 11)
    fips_idx = jax.random.randint(ks[0], (BATCH,), 0, NUM_FIPS, dtype=jnp.int64 if jax.config.jax_enable_x64 else jnp.int32)
    crop_idx = jax.random.randint(ks[1], (BATCH,), 0, NUM_CROPS, dtype=jnp.int32)
    year_idx = jax.random.randint(ks[2], (BATCH,), 0, NUM_YEARS, dtype=jnp.int32)
    growth_stage = jax.random.uniform(ks[3], (BATCH,), dtype=jnp.float32)
    fips_table = jax.random.normal(ks[4], (NUM_FIPS, EMB), dtype=jnp.float32)
    crop_table = jax.random.normal(ks[5], (NUM_CROPS, EMB), dtype=jnp.float32)
    year_table = jax.random.normal(ks[6], (NUM_YEARS, EMB), dtype=jnp.float32)
    in_dim = EMB * 3 + 1
    W1 = jax.random.normal(ks[7], (in_dim, OUT), dtype=jnp.float32) * (1.0 / np.sqrt(in_dim))
    b1 = jnp.zeros((OUT,), dtype=jnp.float32)
    W2 = jax.random.normal(ks[8], (OUT, OUT), dtype=jnp.float32) * (1.0 / np.sqrt(OUT))
    b2 = jnp.zeros((OUT,), dtype=jnp.float32)
    return {
        "fips_idx": fips_idx,
        "crop_idx": crop_idx,
        "year_idx": year_idx,
        "growth_stage": growth_stage,
        "fips_table": fips_table,
        "crop_table": crop_table,
        "year_table": year_table,
        "W1": W1,
        "b1": b1,
        "W2": W2,
        "b2": b2,
    }


def reference(fips_idx, crop_idx, year_idx, growth_stage, fips_table, crop_table, year_table, W1, b1, W2, b2):
    fips_emb = jnp.take(fips_table, fips_idx, axis=0)
    crop_emb = jnp.take(crop_table, crop_idx, axis=0)
    year_emb = jnp.take(year_table, year_idx, axis=0)
    gs = growth_stage[:, None]
    x = jnp.concatenate([fips_emb, crop_emb, year_emb, gs], axis=1)
    x = jax.nn.relu(x @ W1 + b1)
    x = jax.nn.relu(x @ W2 + b2)
    return x

if __name__ == "__main__":
    import jax
    _d = setup_inputs()
    print(jax.jit(kernel)(*tuple(_d.values())))

</pallas_src>

<mosaic_0001>
#map = affine_map<(d0, d1) -> (0, 0)>
#map1 = affine_map<(d0, d1) -> (0)>
module attributes {stable_mosaic.version = 14 : i64} {
  func.func @k(%arg0: i32, %arg1: i32, %arg2: memref<26624x128xf32, #tpu.memory_space<hbm>>, %arg3: memref<16384xi32, #tpu.memory_space<hbm>>, %arg4: memref<16384xi32, #tpu.memory_space<hbm>>, %arg5: memref<16384xf32, #tpu.memory_space<hbm>>, %arg6: memref<16384x128xf32, #tpu.memory_space<hbm>>, %arg7: memref<16384x16xf32, #tpu.memory_space<hbm>>, %arg8: memref<512xi32, #tpu.memory_space<vmem>>, %arg9: memref<512xi32, #tpu.memory_space<vmem>>, %arg10: memref<512xf32, #tpu.memory_space<vmem>>, %arg11: memref<256x128xf32, #tpu.memory_space<vmem>>, %arg12: memref<512x16xf32, #tpu.memory_space<vmem>>, %arg13: memref<!tpu.dma_semaphore, #tpu.memory_space<semaphore_mem>>) attributes {dimension_semantics = [#tpu.dimension_semantics<core_parallel>, #tpu.dimension_semantics<subcore_parallel>], iteration_bounds = array<i64: 2, 16>, scalar_prefetch = 0 : i64, scratch_operands = 6 : i64, tpu.core_type = #tpu.core_type<sc_vector_subcore>, window_params = [{transform_indices = #map}, {transform_indices = #map1}, {transform_indices = #map1}, {transform_indices = #map1}, {transform_indices = #map}, {transform_indices = #map}]} {
    %mul3A = arith.constant 2 : i32
    %mul3A_0 = arith.muli %arg1, %mul3A : i32
    %add3A = arith.addi %mul3A_0, %arg0 : i32
    %mul3A_1 = arith.constant 512 : i32
    %mul3A_2 = arith.muli %add3A, %mul3A_1 : i32
    "tpu.region"() ({
      %run_scoped3A = tpu.sem_alloc : memref<!tpu.dma_semaphore, #tpu.memory_space<semaphore_mem>>
      %dma_start3A_39 = tpu.memref_slice %arg3[%mul3A_2] : memref<16384xi32, #tpu.memory_space<hbm>> -> memref<512xi32, #tpu.memory_space<hbm>>
      %dma_start3A_40 = tpu.memref_slice %arg3[%mul3A_2] : memref<16384xi32, #tpu.memory_space<hbm>> -> memref<512xi32, #tpu.memory_space<hbm>>
      tpu.enqueue_dma source(%dma_start3A_40 : memref<512xi32, #tpu.memory_space<hbm>>) target(%arg8 : memref<512xi32, #tpu.memory_space<vmem>>) target_semaphore(%run_scoped3A : memref<!tpu.dma_semaphore, #tpu.memory_space<semaphore_mem>>)
      %dma_wait3A_41 = tpu.memref_slice %arg3[%mul3A_2] : memref<16384xi32, #tpu.memory_space<hbm>> -> memref<512xi32, #tpu.memory_space<hbm>>
      %dma_wait3A_42 = tpu.memref_slice %arg3[%mul3A_2] : memref<16384xi32, #tpu.memory_space<hbm>> -> memref<512xi32, #tpu.memory_space<hbm>>
      tpu.wait_dma2 semaphore(%run_scoped3A : memref<!tpu.dma_semaphore, #tpu.memory_space<semaphore_mem>>) src(%dma_wait3A_42 : memref<512xi32, #tpu.memory_space<hbm>>) dst(%arg8 : memref<512xi32, #tpu.memory_space<vmem>>)
      tpu.yield
    }) : () -> ()
    "tpu.region"() ({
      %run_scoped3A = tpu.sem_alloc : memref<!tpu.dma_semaphore, #tpu.memory_space<semaphore_mem>>
      %dma_start3A_39 = tpu.memref_slice %arg4[%mul3A_2] : memref<16384xi32, #tpu.memory_space<hbm>> -> memref<512xi32, #tpu.memory_space<hbm>>
      %dma_start3A_40 = tpu.memref_slice %arg4[%mul3A_2] : memref<16384xi32, #tpu.memory_space<hbm>> -> memref<512xi32, #tpu.memory_space<hbm>>
      tpu.enqueue_dma source(%dma_start3A_40 : memref<512xi32, #tpu.memory_space<hbm>>) target(%arg9 : memref<512xi32, #tpu.memory_space<vmem>>) target_semaphore(%run_scoped3A : memref<!tpu.dma_semaphore, #tpu.memory_space<semaphore_mem>>)
      %dma_wait3A_41 = tpu.memref_slice %arg4[%mul3A_2] : memref<16384xi32, #tpu.memory_space<hbm>> -> memref<512xi32, #tpu.memory_space<hbm>>
      %dma_wait3A_42 = tpu.memref_slice %arg4[%mul3A_2] : memref<16384xi32, #tpu.memory_space<hbm>> -> memref<512xi32, #tpu.memory_space<hbm>>
      tpu.wait_dma2 semaphore(%run_scoped3A : memref<!tpu.dma_semaphore, #tpu.memory_space<semaphore_mem>>) src(%dma_wait3A_42 : memref<512xi32, #tpu.memory_space<hbm>>) dst(%arg9 : memref<512xi32, #tpu.memory_space<vmem>>)
      tpu.yield
    }) : () -> ()
    "tpu.region"() ({
      %run_scoped3A = tpu.sem_alloc : memref<!tpu.dma_semaphore, #tpu.memory_space<semaphore_mem>>
      %dma_start3A_39 = tpu.memref_slice %arg5[%mul3A_2] : memref<16384xf32, #tpu.memory_space<hbm>> -> memref<512xf32, #tpu.memory_space<hbm>>
      %dma_start3A_40 = tpu.memref_slice %arg5[%mul3A_2] : memref<16384xf32, #tpu.memory_space<hbm>> -> memref<512xf32, #tpu.memory_space<hbm>>
      tpu.enqueue_dma source(%dma_start3A_40 : memref<512xf32, #tpu.memory_space<hbm>>) target(%arg10 : memref<512xf32, #tpu.memory_space<vmem>>) target_semaphore(%run_scoped3A : memref<!tpu.dma_semaphore, #tpu.memory_space<semaphore_mem>>)
      %dma_wait3A_41 = tpu.memref_slice %arg5[%mul3A_2] : memref<16384xf32, #tpu.memory_space<hbm>> -> memref<512xf32, #tpu.memory_space<hbm>>
      %dma_wait3A_42 = tpu.memref_slice %arg5[%mul3A_2] : memref<16384xf32, #tpu.memory_space<hbm>> -> memref<512xf32, #tpu.memory_space<hbm>>
      tpu.wait_dma2 semaphore(%run_scoped3A : memref<!tpu.dma_semaphore, #tpu.memory_space<semaphore_mem>>) src(%dma_wait3A_42 : memref<512xf32, #tpu.memory_space<hbm>>) dst(%arg10 : memref<512xf32, #tpu.memory_space<vmem>>)
      tpu.yield
    }) : () -> ()
    %scan3A = arith.constant 0 : i32
    %scan3A_3 = arith.constant 512 : i32
    %scan3A_4 = arith.addi %scan3A, %scan3A_3 : i32
    %scan3A_5 = arith.constant 1 : i32
    scf.for %scan3A_39 = %scan3A to %scan3A_4 step %scan3A_5  : i32 {
      %mul3A_40 = arith.constant 1 : i32
      %mul3A_41 = arith.muli %scan3A_39, %mul3A_40 : i32
      %add3A_42 = arith.constant 0 : i32
      %add3A_43 = arith.addi %add3A_42, %mul3A_41 : i32
      %broadcast_in_dim3A_44 = arith.constant 0.000000e+00 : f32
      %broadcast_in_dim3A_45 = vector.broadcast %broadcast_in_dim3A_44 : f32 to vector<16xf32>
      %swap3A = arith.index_cast %add3A_43 : i32 to index
      %swap3A_46 = arith.constant 0 : index
      %swap3A_47 = tpu.vector_load %arg12[%swap3A, %swap3A_46] {strides = array<i32>} : memref<512x16xf32, #tpu.memory_space<vmem>>, vector<16xf32>,
      tpu.vector_store %arg12[%swap3A, %swap3A_46], %broadcast_in_dim3A_45 {strides = array<i32>} : memref<512x16xf32, #tpu.memory_space<vmem>>, vector<16xf32>,
    }
    %scan3A_6 = arith.constant 512 : i32
    %broadcast_in_dim3A = arith.constant 1.000000e+00 : f32
    %broadcast_in_dim3A_7 = vector.broadcast %broadcast_in_dim3A : f32 to vector<16xf32>
    %iota3A = tpu.iota {dimensions = array<i32: 0>} : vector<16xi32>
    %broadcast_in_dim3A_8 = arith.constant 14 : i32
    %broadcast_in_dim3A_9 = vector.broadcast %broadcast_in_dim3A_8 : i32 to vector<16xi32>
    %broadcast_in_dim3A_10 = arith.constant 15 : i32
    %broadcast_in_dim3A_11 = vector.broadcast %broadcast_in_dim3A_10 : i32 to vector<16xi32>
    %scan3A_12 = arith.constant 0 : i32
    %scan3A_13 = arith.constant 32 : i32
    %scan3A_14 = arith.addi %scan3A_12, %scan3A_13 : i32
    %scan3A_15 = arith.constant 1 : i32
    scf.for %scan3A_39 = %scan3A_12 to %scan3A_14 step %scan3A_15  : i32 {
      %mul3A_40 = arith.constant 16 : i32
      %mul3A_41 = arith.muli %scan3A_39, %mul3A_40 : i32
      %add3A_42 = arith.constant 0 : i32
      %add3A_43 = arith.addi %add3A_42, %mul3A_41 : i32
      %add3A_44 = vector.broadcast %add3A_43 : i32 to vector<16xi32>
      %add3A_45 = arith.addi %iota3A, %add3A_44 : vector<16xi32>
      %get3A = arith.index_cast %add3A_43 : i32 to index
      %get3A_46 = tpu.vector_load %arg9[%get3A] {strides = array<i32>} : memref<512xi32, #tpu.memory_space<vmem>>, vector<16xi32>,
      %and3A = arith.andi %get3A_46, %broadcast_in_dim3A_11 : vector<16xi32>
      tpu.vector_store_idx %arg12[%add3A_45, %and3A], %broadcast_in_dim3A_7 : memref<512x16xf32, #tpu.memory_space<vmem>>[vector<16xi32>, vector<16xi32>], vector<16xf32>,
      %shift_right_logical3A = arith.constant 4 : i32
      %shift_right_logical3A_47 = vector.broadcast %shift_right_logical3A : i32 to vector<16xi32>
      %shift_right_logical3A_48 = arith.shrui %get3A_46, %shift_right_logical3A_47 : vector<16xi32>
      %and3A_49 = arith.andi %shift_right_logical3A_48, %broadcast_in_dim3A_11 : vector<16xi32>
      tpu.vector_store_idx %arg12[%add3A_45, %and3A_49], %broadcast_in_dim3A_7 : memref<512x16xf32, #tpu.memory_space<vmem>>[vector<16xi32>, vector<16xi32>], vector<16xf32>,
      %shift_right_logical3A_50 = arith.constant 8 : i32
      %shift_right_logical3A_51 = vector.broadcast %shift_right_logical3A_50 : i32 to vector<16xi32>
      %shift_right_logical3A_52 = arith.shrui %get3A_46, %shift_right_logical3A_51 : vector<16xi32>
      tpu.vector_store_idx %arg12[%add3A_45, %shift_right_logical3A_52], %broadcast_in_dim3A_7 : memref<512x16xf32, #tpu.memory_space<vmem>>[vector<16xi32>, vector<16xi32>], vector<16xf32>,
      %get3A_53 = arith.index_cast %add3A_43 : i32 to index
      %get3A_54 = tpu.vector_load %arg10[%get3A_53] {strides = array<i32>} : memref<512xf32, #tpu.memory_space<vmem>>, vector<16xf32>,
      tpu.vector_store_idx %arg12[%add3A_45, %broadcast_in_dim3A_9], %get3A_54 : memref<512x16xf32, #tpu.memory_space<vmem>>[vector<16xi32>, vector<16xi32>], vector<16xf32>,
    }
    %scan3A_16 = arith.constant 32 : i32
    %dma_start3A = arith.constant 0 : i32
    %dma_start3A_17 = tpu.memref_slice %arg8[%dma_start3A] : memref<512xi32, #tpu.memory_space<vmem>> -> memref<256xi32, #tpu.memory_space<vmem>>
    %dma_start3A_18 = arith.constant 0 : i32
    %dma_start3A_19 = arith.constant 0 : i32
    %dma_start3A_20 = tpu.memref_slice %arg2[%dma_start3A_18, %dma_start3A_19] : memref<26624x128xf32, #tpu.memory_space<hbm>> -> memref<26624x128xf32, #tpu.memory_space<hbm>>
    tpu.enqueue_indirect_dma source(%dma_start3A_20 : memref<26624x128xf32, #tpu.memory_space<hbm>>) target(%arg11 : memref<256x128xf32, #tpu.memory_space<vmem>>) offsets(%dma_start3A_17 : memref<256xi32, #tpu.memory_space<vmem>>) semaphore(%arg13 : memref<!tpu.dma_semaphore, #tpu.memory_space<semaphore_mem>>)
    %dma_wait3A = arith.constant 0 : i32
    %dma_wait3A_21 = tpu.memref_slice %arg8[%dma_wait3A] : memref<512xi32, #tpu.memory_space<vmem>> -> memref<256xi32, #tpu.memory_space<vmem>>
    %dma_wait3A_22 = arith.constant 0 : i32
    %dma_wait3A_23 = arith.constant 0 : i32
    %dma_wait3A_24 = tpu.memref_slice %arg2[%dma_wait3A_22, %dma_wait3A_23] : memref<26624x128xf32, #tpu.memory_space<hbm>> -> memref<26624x128xf32, #tpu.memory_space<hbm>>
    tpu.wait_indirect_dma semaphore(%arg13 : memref<!tpu.dma_semaphore, #tpu.memory_space<semaphore_mem>>) src(%dma_wait3A_24 : memref<26624x128xf32, #tpu.memory_space<hbm>>) dst(%arg11 : memref<256x128xf32, #tpu.memory_space<vmem>>)
    %add3A_25 = arith.constant 0 : i32
    %add3A_26 = arith.addi %mul3A_2, %add3A_25 : i32
    "tpu.region"() ({
      %run_scoped3A = tpu.sem_alloc : memref<!tpu.dma_semaphore, #tpu.memory_space<semaphore_mem>>
      %dma_start3A_39 = arith.constant 0 : i32
      %dma_start3A_40 = tpu.memref_slice %arg6[%add3A_26, %dma_start3A_39] : memref<16384x128xf32, #tpu.memory_space<hbm>> -> memref<256x128xf32, #tpu.memory_space<hbm>>
      %dma_start3A_41 = arith.constant 0 : i32
      %dma_start3A_42 = tpu.memref_slice %arg6[%add3A_26, %dma_start3A_41] : memref<16384x128xf32, #tpu.memory_space<hbm>> -> memref<256x128xf32, #tpu.memory_space<hbm>>
      tpu.enqueue_dma source(%arg11 : memref<256x128xf32, #tpu.memory_space<vmem>>) target(%dma_start3A_42 : memref<256x128xf32, #tpu.memory_space<hbm>>) target_semaphore(%run_scoped3A : memref<!tpu.dma_semaphore, #tpu.memory_space<semaphore_mem>>)
      %dma_wait3A_43 = arith.constant 0 : i32
      %dma_wait3A_44 = tpu.memref_slice %arg6[%add3A_26, %dma_wait3A_43] : memref<16384x128xf32, #tpu.memory_space<hbm>> -> memref<256x128xf32, #tpu.memory_space<hbm>>
      %dma_wait3A_45 = arith.constant 0 : i32
      %dma_wait3A_46 = tpu.memref_slice %arg6[%add3A_26, %dma_wait3A_45] : memref<16384x128xf32, #tpu.memory_space<hbm>> -> memref<256x128xf32, #tpu.memory_space<hbm>>
      tpu.wait_dma2 semaphore(%run_scoped3A : memref<!tpu.dma_semaphore, #tpu.memory_space<semaphore_mem>>) src(%arg11 : memref<256x128xf32, #tpu.memory_space<vmem>>) dst(%dma_wait3A_46 : memref<256x128xf32, #tpu.memory_space<hbm>>)
      tpu.yield
    }) : () -> ()
    %dma_start3A_27 = arith.constant 256 : i32
    %dma_start3A_28 = tpu.memref_slice %arg8[%dma_start3A_27] : memref<512xi32, #tpu.memory_space<vmem>> -> memref<256xi32, #tpu.memory_space<vmem>>
    %dma_start3A_29 = arith.constant 0 : i32
    %dma_start3A_30 = arith.constant 0 : i32
    %dma_start3A_31 = tpu.memref_slice %arg2[%dma_start3A_29, %dma_start3A_30] : memref<26624x128xf32, #tpu.memory_space<hbm>> -> memref<26624x128xf32, #tpu.memory_space<hbm>>
    tpu.enqueue_indirect_dma source(%dma_start3A_31 : memref<26624x128xf32, #tpu.memory_space<hbm>>) target(%arg11 : memref<256x128xf32, #tpu.memory_space<vmem>>) offsets(%dma_start3A_28 : memref<256xi32, #tpu.memory_space<vmem>>) semaphore(%arg13 : memref<!tpu.dma_semaphore, #tpu.memory_space<semaphore_mem>>)
    %dma_wait3A_32 = arith.constant 256 : i32
    %dma_wait3A_33 = tpu.memref_slice %arg8[%dma_wait3A_32] : memref<512xi32, #tpu.memory_space<vmem>> -> memref<256xi32, #tpu.memory_space<vmem>>
    %dma_wait3A_34 = arith.constant 0 : i32
    %dma_wait3A_35 = arith.constant 0 : i32
    %dma_wait3A_36 = tpu.memref_slice %arg2[%dma_wait3A_34, %dma_wait3A_35] : memref<26624x128xf32, #tpu.memory_space<hbm>> -> memref<26624x128xf32, #tpu.memory_space<hbm>>
    tpu.wait_indirect_dma semaphore(%arg13 : memref<!tpu.dma_semaphore, #tpu.memory_space<semaphore_mem>>) src(%dma_wait3A_36 : memref<26624x128xf32, #tpu.memory_space<hbm>>) dst(%arg11 : memref<256x128xf32, #tpu.memory_space<vmem>>)
    %add3A_37 = arith.constant 256 : i32
    %add3A_38 = arith.addi %mul3A_2, %add3A_37 : i32
    "tpu.region"() ({
      %run_scoped3A = tpu.sem_alloc : memref<!tpu.dma_semaphore, #tpu.memory_space<semaphore_mem>>
      %dma_start3A_39 = arith.constant 0 : i32
      %dma_start3A_40 = tpu.memref_slice %arg6[%add3A_38, %dma_start3A_39] : memref<16384x128xf32, #tpu.memory_space<hbm>> -> memref<256x128xf32, #tpu.memory_space<hbm>>
      %dma_start3A_41 = arith.constant 0 : i32
      %dma_start3A_42 = tpu.memref_slice %arg6[%add3A_38, %dma_start3A_41] : memref<16384x128xf32, #tpu.memory_space<hbm>> -> memref<256x128xf32, #tpu.memory_space<hbm>>
      tpu.enqueue_dma source(%arg11 : memref<256x128xf32, #tpu.memory_space<vmem>>) target(%dma_start3A_42 : memref<256x128xf32, #tpu.memory_space<hbm>>) target_semaphore(%run_scoped3A : memref<!tpu.dma_semaphore, #tpu.memory_space<semaphore_mem>>)
      %dma_wait3A_43 = arith.constant 0 : i32
      %dma_wait3A_44 = tpu.memref_slice %arg6[%add3A_38, %dma_wait3A_43] : memref<16384x128xf32, #tpu.memory_space<hbm>> -> memref<256x128xf32, #tpu.memory_space<hbm>>
      %dma_wait3A_45 = arith.constant 0 : i32
      %dma_wait3A_46 = tpu.memref_slice %arg6[%add3A_38, %dma_wait3A_45] : memref<16384x128xf32, #tpu.memory_space<hbm>> -> memref<256x128xf32, #tpu.memory_space<hbm>>
      tpu.wait_dma2 semaphore(%run_scoped3A : memref<!tpu.dma_semaphore, #tpu.memory_space<semaphore_mem>>) src(%arg11 : memref<256x128xf32, #tpu.memory_space<vmem>>) dst(%dma_wait3A_46 : memref<256x128xf32, #tpu.memory_space<hbm>>)
      tpu.yield
    }) : () -> ()
    "tpu.region"() ({
      %run_scoped3A = tpu.sem_alloc : memref<!tpu.dma_semaphore, #tpu.memory_space<semaphore_mem>>
      %dma_start3A_39 = arith.constant 0 : i32
      %dma_start3A_40 = tpu.memref_slice %arg7[%mul3A_2, %dma_start3A_39] : memref<16384x16xf32, #tpu.memory_space<hbm>> -> memref<512x16xf32, #tpu.memory_space<hbm>>
      %dma_start3A_41 = arith.constant 0 : i32
      %dma_start3A_42 = tpu.memref_slice %arg7[%mul3A_2, %dma_start3A_41] : memref<16384x16xf32, #tpu.memory_space<hbm>> -> memref<512x16xf32, #tpu.memory_space<hbm>>
      tpu.enqueue_dma source(%arg12 : memref<512x16xf32, #tpu.memory_space<vmem>>) target(%dma_start3A_42 : memref<512x16xf32, #tpu.memory_space<hbm>>) target_semaphore(%run_scoped3A : memref<!tpu.dma_semaphore, #tpu.memory_space<semaphore_mem>>)
      %dma_wait3A_43 = arith.constant 0 : i32
      %dma_wait3A_44 = tpu.memref_slice %arg7[%mul3A_2, %dma_wait3A_43] : memref<16384x16xf32, #tpu.memory_space<hbm>> -> memref<512x16xf32, #tpu.memory_space<hbm>>
      %dma_wait3A_45 = arith.constant 0 : i32
      %dma_wait3A_46 = tpu.memref_slice %arg7[%mul3A_2, %dma_wait3A_45] : memref<16384x16xf32, #tpu.memory_space<hbm>> -> memref<512x16xf32, #tpu.memory_space<hbm>>
      tpu.wait_dma2 semaphore(%run_scoped3A : memref<!tpu.dma_semaphore, #tpu.memory_space<semaphore_mem>>) src(%arg12 : memref<512x16xf32, #tpu.memory_space<vmem>>) dst(%dma_wait3A_46 : memref<512x16xf32, #tpu.memory_space<hbm>>)
      tpu.yield
    }) : () -> ()
    return
  }
}

module attributes {stable_mosaic.version = 14 : i64} {
  func.func @_tr_body(%arg0: i32, %arg1: memref<32x8192xf32, #tpu.memory_space<vmem>>, %arg2: memref<2048x128xf32, #tpu.memory_space<vmem>>) attributes {dimension_semantics = [#tpu.dimension_semantics<arbitrary>], iteration_bounds = array<i64: 13>, scalar_prefetch = 0 : i64, scratch_operands = 0 : i64, tpu.core_type = #tpu.core_type<tc>, window_params = [{transform_indices = @transform_0, window_bounds = array<i64: 32, 8192>}, {transform_indices = @transform_1, window_bounds = array<i64: 2048, 128>}]} {
    %get3A = arith.constant 0 : index
    %get3A_0 = arith.constant 0 : index
    %get3A_1 = vector.load %arg1[%get3A, %get3A_0] : memref<32x8192xf32, #tpu.memory_space<vmem>>, vector<32x1024xf32>
    %transpose3A = tpu.transpose %get3A_1, [1, 0] : vector<32x1024xf32> -> vector<1024x32xf32>
    %swap3A = arith.constant 0 : index
    %swap3A_2 = arith.constant 0 : index
    %swap3A_3 = vector.load %arg2[%swap3A, %swap3A_2] : memref<2048x128xf32, #tpu.memory_space<vmem>>, vector<1024x32xf32>
    tpu.vector_store %arg2[%swap3A, %swap3A_2], %transpose3A {strides = array<i32>} : memref<2048x128xf32, #tpu.memory_space<vmem>>, vector<1024x32xf32>,
    %get3A_4 = arith.constant 0 : index
    %get3A_5 = arith.constant 1024 : index
    %get3A_6 = vector.load %arg1[%get3A_4, %get3A_5] : memref<32x8192xf32, #tpu.memory_space<vmem>>, vector<32x1024xf32>
    %transpose3A_7 = tpu.transpose %get3A_6, [1, 0] : vector<32x1024xf32> -> vector<1024x32xf32>
    %swap3A_8 = arith.constant 0 : index
    %swap3A_9 = arith.constant 32 : index
    %swap3A_10 = vector.load %arg2[%swap3A_8, %swap3A_9] : memref<2048x128xf32, #tpu.memory_space<vmem>>, vector<1024x32xf32>
    tpu.vector_store %arg2[%swap3A_8, %swap3A_9], %transpose3A_7 {strides = array<i32>} : memref<2048x128xf32, #tpu.memory_space<vmem>>, vector<1024x32xf32>,
    %get3A_11 = arith.constant 0 : index
    %get3A_12 = arith.constant 2048 : index
    %get3A_13 = vector.load %arg1[%get3A_11, %get3A_12] : memref<32x8192xf32, #tpu.memory_space<vmem>>, vector<32x1024xf32>
    %transpose3A_14 = tpu.transpose %get3A_13, [1, 0] : vector<32x1024xf32> -> vector<1024x32xf32>
    %swap3A_15 = arith.constant 0 : index
    %swap3A_16 = arith.constant 64 : index
    %swap3A_17 = vector.load %arg2[%swap3A_15, %swap3A_16] : memref<2048x128xf32, #tpu.memory_space<vmem>>, vector<1024x32xf32>
    tpu.vector_store %arg2[%swap3A_15, %swap3A_16], %transpose3A_14 {strides = array<i32>} : memref<2048x128xf32, #tpu.memory_space<vmem>>, vector<1024x32xf32>,
    %get3A_18 = arith.constant 0 : index
    %get3A_19 = arith.constant 3072 : index
    %get3A_20 = vector.load %arg1[%get3A_18, %get3A_19] : memref<32x8192xf32, #tpu.memory_space<vmem>>, vector<32x1024xf32>
    %transpose3A_21 = tpu.transpose %get3A_20, [1, 0] : vector<32x1024xf32> -> vector<1024x32xf32>
    %swap3A_22 = arith.constant 0 : index
    %swap3A_23 = arith.constant 96 : index
    %swap3A_24 = vector.load %arg2[%swap3A_22, %swap3A_23] : memref<2048x128xf32, #tpu.memory_space<vmem>>, vector<1024x32xf32>
    tpu.vector_store %arg2[%swap3A_22, %swap3A_23], %transpose3A_21 {strides = array<i32>} : memref<2048x128xf32, #tpu.memory_space<vmem>>, vector<1024x32xf32>,
    %get3A_25 = arith.constant 0 : index
    %get3A_26 = arith.constant 4096 : index
    %get3A_27 = vector.load %arg1[%get3A_25, %get3A_26] : memref<32x8192xf32, #tpu.memory_space<vmem>>, vector<32x1024xf32>
    %transpose3A_28 = tpu.transpose %get3A_27, [1, 0] : vector<32x1024xf32> -> vector<1024x32xf32>
    %swap3A_29 = arith.constant 1024 : index
    %swap3A_30 = arith.constant 0 : index
    %swap3A_31 = vector.load %arg2[%swap3A_29, %swap3A_30] : memref<2048x128xf32, #tpu.memory_space<vmem>>, vector<1024x32xf32>
    tpu.vector_store %arg2[%swap3A_29, %swap3A_30], %transpose3A_28 {strides = array<i32>} : memref<2048x128xf32, #tpu.memory_space<vmem>>, vector<1024x32xf32>,
    %get3A_32 = arith.constant 0 : index
    %get3A_33 = arith.constant 5120 : index
    %get3A_34 = vector.load %arg1[%get3A_32, %get3A_33] : memref<32x8192xf32, #tpu.memory_space<vmem>>, vector<32x1024xf32>
    %transpose3A_35 = tpu.transpose %get3A_34, [1, 0] : vector<32x1024xf32> -> vector<1024x32xf32>
    %swap3A_36 = arith.constant 1024 : index
    %swap3A_37 = arith.constant 32 : index
    %swap3A_38 = vector.load %arg2[%swap3A_36, %swap3A_37] : memref<2048x128xf32, #tpu.memory_space<vmem>>, vector<1024x32xf32>
    tpu.vector_store %arg2[%swap3A_36, %swap3A_37], %transpose3A_35 {strides = array<i32>} : memref<2048x128xf32, #tpu.memory_space<vmem>>, vector<1024x32xf32>,
    %get3A_39 = arith.constant 0 : index
    %get3A_40 = arith.constant 6144 : index
    %get3A_41 = vector.load %arg1[%get3A_39, %get3A_40] : memref<32x8192xf32, #tpu.memory_space<vmem>>, vector<32x1024xf32>
    %transpose3A_42 = tpu.transpose %get3A_41, [1, 0] : vector<32x1024xf32> -> vector<1024x32xf32>
    %swap3A_43 = arith.constant 1024 : index
    %swap3A_44 = arith.constant 64 : index
    %swap3A_45 = vector.load %arg2[%swap3A_43, %swap3A_44] : memref<2048x128xf32, #tpu.memory_space<vmem>>, vector<1024x32xf32>
    tpu.vector_store %arg2[%swap3A_43, %swap3A_44], %transpose3A_42 {strides = array<i32>} : memref<2048x128xf32, #tpu.memory_space<vmem>>, vector<1024x32xf32>,
    %get3A_46 = arith.constant 0 : index
    %get3A_47 = arith.constant 7168 : index
    %get3A_48 = vector.load %arg1[%get3A_46, %get3A_47] : memref<32x8192xf32, #tpu.memory_space<vmem>>, vector<32x1024xf32>
    %transpose3A_49 = tpu.transpose %get3A_48, [1, 0] : vector<32x1024xf32> -> vector<1024x32xf32>
    %swap3A_50 = arith.constant 1024 : index
    %swap3A_51 = arith.constant 96 : index
    %swap3A_52 = vector.load %arg2[%swap3A_50, %swap3A_51] : memref<2048x128xf32, #tpu.memory_space<vmem>>, vector<1024x32xf32>
    tpu.vector_store %arg2[%swap3A_50, %swap3A_51], %transpose3A_49 {strides = array<i32>} : memref<2048x128xf32, #tpu.memory_space<vmem>>, vector<1024x32xf32>,
    return
  }
  func.func @transform_0(%arg0: i32) -> (i32, i32) {
    %c0_i32 = arith.constant 0 : i32
    %c0_i32_0 = arith.constant 0 : i32
    return %c0_i32, %arg0 : i32, i32
  }
  func.func @transform_1(%arg0: i32) -> (i32, i32) {
    %c0_i32 = arith.constant 0 : i32
    %c0_i32_0 = arith.constant 0 : i32
    return %arg0, %c0_i32 : i32, i32
  }
}

module attributes {stable_mosaic.version = 14 : i64} {
  func.func @_mlp_body(%arg0: i32, %arg1: memref<4096x128xf32, #tpu.memory_space<vmem>>, %arg2: memref<4096x16xf32, #tpu.memory_space<vmem>>, %arg3: memref<4x32xf32, #tpu.memory_space<vmem>>, %arg4: memref<6x32xf32, #tpu.memory_space<vmem>>, %arg5: memref<97x64xf32, #tpu.memory_space<vmem>>, %arg6: memref<1x64xf32, #tpu.memory_space<vmem>>, %arg7: memref<64x64xf32, #tpu.memory_space<vmem>>, %arg8: memref<1x64xf32, #tpu.memory_space<vmem>>, %arg9: memref<4096x64xf32, #tpu.memory_space<vmem>>) attributes {dimension_semantics = [#tpu.dimension_semantics<arbitrary>], iteration_bounds = array<i64: 4>, scalar_prefetch = 0 : i64, scratch_operands = 0 : i64, tpu.core_type = #tpu.core_type<tc>, window_params = [{transform_indices = @transform_0, window_bounds = array<i64: 4096, 128>}, {transform_indices = @transform_1, window_bounds = array<i64: 4096, 16>}, {pipeline_mode = #tpu.pipeline_mode<synchronous>, transform_indices = @transform_2, window_bounds = array<i64: 4, 32>}, {pipeline_mode = #tpu.pipeline_mode<synchronous>, transform_indices = @transform_3, window_bounds = array<i64: 6, 32>}, {pipeline_mode = #tpu.pipeline_mode<synchronous>, transform_indices = @transform_4, window_bounds = array<i64: 97, 64>}, {pipeline_mode = #tpu.pipeline_mode<synchronous>, transform_indices = @transform_5, window_bounds = array<i64: 1, 64>}, {pipeline_mode = #tpu.pipeline_mode<synchronous>, transform_indices = @transform_6, window_bounds = array<i64: 64, 64>}, {pipeline_mode = #tpu.pipeline_mode<synchronous>, transform_indices = @transform_7, window_bounds = array<i64: 1, 64>}, {transform_indices = @transform_8, window_bounds = array<i64: 4096, 64>}]} {
    %get3A = arith.constant 0 : index
    %get3A_0 = arith.constant 0 : index
    %get3A_1 = vector.load %arg1[%get3A, %get3A_0] : memref<4096x128xf32, #tpu.memory_space<vmem>>, vector<4096x128xf32>
    %get3A_2 = arith.constant 0 : index
    %get3A_3 = arith.constant 0 : index
    %get3A_4 = vector.load %arg2[%get3A_2, %get3A_3] : memref<4096x16xf32, #tpu.memory_space<vmem>>, vector<4096x16xf32>
    %get3A_5 = arith.constant 0 : index
    %get3A_6 = arith.constant 0 : index
    %get3A_7 = vector.load %arg5[%get3A_5, %get3A_6] : memref<97x64xf32, #tpu.memory_space<vmem>>, vector<97x64xf32>
    %iota3A = tpu.iota {dimensions = array<i32: 1>} : vector<4x128xi32>
    %shift_right_arithmetic3A = arith.constant 5 : i32
    %shift_right_arithmetic3A_8 = vector.broadcast %shift_right_arithmetic3A : i32 to vector<4x128xi32>
    %shift_right_arithmetic3A_9 = arith.shrsi %iota3A, %shift_right_arithmetic3A_8 : vector<4x128xi32>
    %iota3A_10 = tpu.iota {dimensions = array<i32: 0>} : vector<4x128xi32>
    %eq3A = arith.cmpi eq, %shift_right_arithmetic3A_9, %iota3A_10 : vector<4x128xi32>
    %convert_element_type3A = arith.extui %eq3A : vector<4x128xi1> to vector<4x128xi32>
    %convert_element_type3A_11 = arith.sitofp %convert_element_type3A : vector<4x128xi32> to vector<4x128xf32>
    %slice3A = vector.extract_strided_slice %get3A_4 {offsets = [0, 0], sizes = [4096, 4], strides = [1, 1]} : vector<4096x16xf32> to vector<4096x4xf32>
    %dot_general3A = arith.constant dense<0.000000e+00> : vector<4096x128xf32>
    %dot_general3A_12 = tpu.matmul %slice3A, %convert_element_type3A_11, %dot_general3A {dimension_numbers = #tpu.dot_dimension_numbers<[1], [0], [0], [1], [0, 0, 1, 1], [], []>, transpose_lhs_hint = false} : vector<4096x4xf32>, vector<4x128xf32>, vector<4096x128xf32> -> vector<4096x128xf32>
    %slice3A_13 = vector.extract_strided_slice %get3A_7 {offsets = [0, 0], sizes = [32, 64], strides = [1, 1]} : vector<97x64xf32> to vector<32x64xf32>
    %concatenate3A = tpu.concatenate %slice3A_13, %slice3A_13, %slice3A_13, %slice3A_13 in 0 : vector<32x64xf32>, vector<32x64xf32>, vector<32x64xf32>, vector<32x64xf32> -> vector<128x64xf32>
    %mul3A = arith.mulf %get3A_1, %dot_general3A_12 : vector<4096x128xf32>
    %dot_general3A_14 = arith.constant dense<0.000000e+00> : vector<4096x64xf32>
    %dot_general3A_15 = tpu.matmul %mul3A, %concatenate3A, %dot_general3A_14 {dimension_numbers = #tpu.dot_dimension_numbers<[1], [0], [0], [1], [0, 0, 1, 1], [], []>, transpose_lhs_hint = false} : vector<4096x128xf32>, vector<128x64xf32>, vector<4096x64xf32> -> vector<4096x64xf32>
    %get3A_16 = arith.constant 0 : index
    %get3A_17 = arith.constant 0 : index
    %get3A_18 = vector.load %arg3[%get3A_16, %get3A_17] : memref<4x32xf32, #tpu.memory_space<vmem>>, vector<4x32xf32>
    %slice3A_19 = vector.extract_strided_slice %get3A_7 {offsets = [32, 0], sizes = [32, 64], strides = [1, 1]} : vector<97x64xf32> to vector<32x64xf32>
    %dot_general3A_20 = arith.constant dense<0.000000e+00> : vector<4x64xf32>
    %dot_general3A_21 = tpu.matmul %get3A_18, %slice3A_19, %dot_general3A_20 {dimension_numbers = #tpu.dot_dimension_numbers<[1], [0], [0], [1], [0, 0, 1, 1], [], []>, transpose_lhs_hint = false} : vector<4x32xf32>, vector<32x64xf32>, vector<4x64xf32> -> vector<4x64xf32>
    %slice3A_22 = vector.extract_strided_slice %get3A_4 {offsets = [0, 4], sizes = [4096, 4], strides = [1, 1]} : vector<4096x16xf32> to vector<4096x4xf32>
    %dot_general3A_23 = arith.constant dense<0.000000e+00> : vector<4096x64xf32>
    %dot_general3A_24 = tpu.matmul %slice3A_22, %dot_general3A_21, %dot_general3A_23 {dimension_numbers = #tpu.dot_dimension_numbers<[1], [0], [0], [1], [0, 0, 1, 1], [], []>, transpose_lhs_hint = false} : vector<4096x4xf32>, vector<4x64xf32>, vector<4096x64xf32> -> vector<4096x64xf32>
    %add3A = arith.addf %dot_general3A_15, %dot_general3A_24 : vector<4096x64xf32>
    %get3A_25 = arith.constant 0 : index
    %get3A_26 = arith.constant 0 : index
    %get3A_27 = vector.load %arg4[%get3A_25, %get3A_26] : memref<6x32xf32, #tpu.memory_space<vmem>>, vector<6x32xf32>
    %slice3A_28 = vector.extract_strided_slice %get3A_7 {offsets = [64, 0], sizes = [32, 64], strides = [1, 1]} : vector<97x64xf32> to vector<32x64xf32>
    %dot_general3A_29 = arith.constant dense<0.000000e+00> : vector<6x64xf32>
    %dot_general3A_30 = tpu.matmul %get3A_27, %slice3A_28, %dot_general3A_29 {dimension_numbers = #tpu.dot_dimension_numbers<[1], [0], [0], [1], [0, 0, 1, 1], [], []>, transpose_lhs_hint = false} : vector<6x32xf32>, vector<32x64xf32>, vector<6x64xf32> -> vector<6x64xf32>
    %slice3A_31 = vector.extract_strided_slice %get3A_4 {offsets = [0, 8], sizes = [4096, 6], strides = [1, 1]} : vector<4096x16xf32> to vector<4096x6xf32>
    %dot_general3A_32 = arith.constant dense<0.000000e+00> : vector<4096x64xf32>
    %dot_general3A_33 = tpu.matmul %slice3A_31, %dot_general3A_30, %dot_general3A_32 {dimension_numbers = #tpu.dot_dimension_numbers<[1], [0], [0], [1], [0, 0, 1, 1], [], []>, transpose_lhs_hint = false} : vector<4096x6xf32>, vector<6x64xf32>, vector<4096x64xf32> -> vector<4096x64xf32>
    %add3A_34 = arith.addf %add3A, %dot_general3A_33 : vector<4096x64xf32>
    %slice3A_35 = vector.extract_strided_slice %get3A_4 {offsets = [0, 14], sizes = [4096, 1], strides = [1, 1]} : vector<4096x16xf32> to vector<4096x1xf32>
    %slice3A_36 = vector.extract_strided_slice %get3A_7 {offsets = [96, 0], sizes = [1, 64], strides = [1, 1]} : vector<97x64xf32> to vector<1x64xf32>
    %mul3A_37 = vector.broadcast %slice3A_35 : vector<4096x1xf32> to vector<4096x64xf32>
    %mul3A_38 = vector.broadcast %slice3A_36 : vector<1x64xf32> to vector<4096x64xf32>
    %mul3A_39 = arith.mulf %mul3A_37, %mul3A_38 : vector<4096x64xf32>
    %add3A_40 = arith.addf %add3A_34, %mul3A_39 : vector<4096x64xf32>
    %get3A_41 = arith.constant 0 : index
    %get3A_42 = arith.constant 0 : index
    %get3A_43 = vector.load %arg6[%get3A_41, %get3A_42] : memref<1x64xf32, #tpu.memory_space<vmem>>, vector<1x64xf32>
    %add3A_44 = vector.broadcast %get3A_43 : vector<1x64xf32> to vector<4096x64xf32>
    %add3A_45 = arith.addf %add3A_40, %add3A_44 : vector<4096x64xf32>
    %max3A = arith.constant 0.000000e+00 : f32
    %max3A_46 = vector.broadcast %max3A : f32 to vector<4096x64xf32>
    %max3A_47 = arith.maximumf %add3A_45, %max3A_46 : vector<4096x64xf32>
    %get3A_48 = arith.constant 0 : index
    %get3A_49 = arith.constant 0 : index
    %get3A_50 = vector.load %arg7[%get3A_48, %get3A_49] : memref<64x64xf32, #tpu.memory_space<vmem>>, vector<64x64xf32>
    %dot_general3A_51 = arith.constant dense<0.000000e+00> : vector<4096x64xf32>
    %dot_general3A_52 = tpu.matmul %max3A_47, %get3A_50, %dot_general3A_51 {dimension_numbers = #tpu.dot_dimension_numbers<[1], [0], [0], [1], [0, 0, 1, 1], [], []>, transpose_lhs_hint = false} : vector<4096x64xf32>, vector<64x64xf32>, vector<4096x64xf32> -> vector<4096x64xf32>
    %get3A_53 = arith.constant 0 : index
    %get3A_54 = arith.constant 0 : index
    %get3A_55 = vector.load %arg8[%get3A_53, %get3A_54] : memref<1x64xf32, #tpu.memory_space<vmem>>, vector<1x64xf32>
    %add3A_56 = vector.broadcast %get3A_55 : vector<1x64xf32> to vector<4096x64xf32>
    %add3A_57 = arith.addf %dot_general3A_52, %add3A_56 : vector<4096x64xf32>
    %max3A_58 = arith.constant 0.000000e+00 : f32
    %max3A_59 = vector.broadcast %max3A_58 : f32 to vector<4096x64xf32>
    %max3A_60 = arith.maximumf %add3A_57, %max3A_59 : vector<4096x64xf32>
    %swap3A = arith.constant 0 : index
    %swap3A_61 = arith.constant 0 : index
    %swap3A_62 = vector.load %arg9[%swap3A, %swap3A_61] : memref<4096x64xf32, #tpu.memory_space<vmem>>, vector<4096x64xf32>
    tpu.vector_store %arg9[%swap3A, %swap3A_61], %max3A_60 {strides = array<i32>} : memref<4096x64xf32, #tpu.memory_space<vmem>>, vector<4096x64xf32>,
    return
  }
  func.func @transform_0(%arg0: i32) -> (i32, i32) {
    %c0_i32 = arith.constant 0 : i32
    %c0_i32_0 = arith.constant 0 : i32
    return %arg0, %c0_i32 : i32, i32
  }
  func.func @transform_1(%arg0: i32) -> (i32, i32) {
    %c0_i32 = arith.constant 0 : i32
    %c0_i32_0 = arith.constant 0 : i32
    return %arg0, %c0_i32 : i32, i32
  }
  func.func @transform_2(%arg0: i32) -> (i32, i32) {
    %c0_i32 = arith.constant 0 : i32
    %c0_i32_0 = arith.constant 0 : i32
    %c0_i32_1 = arith.constant 0 : i32
    return %c0_i32, %c0_i32_0 : i32, i32
  }
  func.func @transform_3(%arg0: i32) -> (i32, i32) {
    %c0_i32 = arith.constant 0 : i32
    %c0_i32_0 = arith.constant 0 : i32
    %c0_i32_1 = arith.constant 0 : i32
    return %c0_i32, %c0_i32_0 : i32, i32
  }
  func.func @transform_4(%arg0: i32) -> (i32, i32) {
    %c0_i32 = arith.constant 0 : i32
    %c0_i32_0 = arith.constant 0 : i32
    %c0_i32_1 = arith.constant 0 : i32
    return %c0_i32, %c0_i32_0 : i32, i32
  }
  func.func @transform_5(%arg0: i32) -> (i32, i32) {
    %c0_i32 = arith.constant 0 : i32
    %c0_i32_0 = arith.constant 0 : i32
    %c0_i32_1 = arith.constant 0 : i32
    return %c0_i32, %c0_i32_0 : i32, i32
  }
  func.func @transform_6(%arg0: i32) -> (i32, i32) {
    %c0_i32 = arith.constant 0 : i32
    %c0_i32_0 = arith.constant 0 : i32
    %c0_i32_1 = arith.constant 0 : i32
    return %c0_i32, %c0_i32_0 : i32, i32
  }
  func.func @transform_7(%arg0: i32) -> (i32, i32) {
    %c0_i32 = arith.constant 0 : i32
    %c0_i32_0 = arith.constant 0 : i32
    %c0_i32_1 = arith.constant 0 : i32
    return %c0_i32, %c0_i32_0 : i32, i32
  }
  func.func @transform_8(%arg0: i32) -> (i32, i32) {
    %c0_i32 = arith.constant 0 : i32
    %c0_i32_0 = arith.constant 0 : i32
    return %arg0, %c0_i32 : i32, i32
  }
}

</mosaic_0001>

<sc_bundles>
// kernel: kernel.5.cloned.1.call-start
scs
__scs_entry_jumppad:
0x0: {  	(pc) =	sbr.rel $0x88, $3  }
0x1: {  	(tag) =	ssettag $0x0;
	lr =	simm.s32 $0x1  }
0x2: {  	[smem:$0x3F96] =	sst lr;
	_ =	strace $0xD0000000  }
0x3: {  	_ = 	snop  }
0x4: {  	_ = 	snop  }
0x5: {  	_ = 	snop  }
0x6: {  	_ = 	snop  }
0x7: {  	_ = 	snop  }
__scs_overlays_trampoline_lowered:
0x8: {  	[smem:$0x3FA5] =	sst s0  }
0x9: {  	[smem:$0x3FA6] =	sst s1  }
0xa: {  	[smem:$0x3FA7] =	sst s2  }
0xb: {  	[smem:$0x3FA8] =	sst s3  }
0xc: {  	[smem:$0x3FA9] =	sst s4  }
0xd: {  	[smem:$0x3FAA] =	sst s5  }
0xe: {  	[smem:$0x3FAB] =	sst s6  }
0xf: {  	[smem:$0x3FAC] =	sst s7  }
0x10: {  	[smem:$0x3FAD] =	sst s8  }
0x11: {  	[smem:$0x3FAE] =	sst s9;
	s0 =	simm.s32 @!p0 $0x0  }
0x12: {  	s1 =	sld [smem:$0x3F94];
	s0 =	simm.s32 @p0 $0x1  }
0x13: {  	[smem:$0x3FAF] =	sst s0;
	s0 =	simm.s32 @!p1 $0x0  }
0x14: {  	s2 =	sld [smem:$0x3F93];
	s0 =	simm.s32 @p1 $0x1  }
0x15: {  	[smem:$0x3FB0] =	sst s0;
	s0 =	simm.s32 @!p2 $0x0  }
0x16: {  	s3 =	sld [smem:$0x3FDB];
	s0 =	simm.s32 @p2 $0x1  }
0x17: {  	s4 =	simm.s32 $0x1BF5;
	[smem:$0x3FB2] =	sst s0  }
0x18: {  	s0 =	sld [smem:$0x3F95];
	_ =	swait.ge [sflag:s4], $0x0  }
0x19: {  	s7 =	sld [smem:$0x3F96]  }
0x1a: {  	s8 =	sadd.s32 $0xFFFFE003, lr  }
0x1b: {  	s9 =	sadd.s32 $0xFFFFFEF7, lr;
	s5 =	simm.s32 $0xFFFFFFFF;
	p2 =	slt.u32 s8, $0xFFFFF086  }
0x1c: {  	p1 =	slt.u32 s9, $0xF7A;
	s5 =	simm.s32 @!p2 $0x0  }
0x1d: {  	s5 =	simm.s32 @p1 $0x1;
	p0 =	seq.s32 s7, s2  }
0x1e: {  	s7 =	smul.u32 @!p0 $0xF7A, s2;
	p2 =	seq.s32 @!p0 s5, $0x0  }
0x1f: {  	s9 =	smul.u32 $0xF7A, s1;
	s8 =	simm.s32 @!p0 $0x1BF5;
	p2 =	por !p2, p0  }
0x20: {  	[sflag:s8] =	ssyncset.s32 @!p0 $0xFFFFF086;
	s6 =	sadd.s32 @!p0 s3, s7;
	s7 =	simm.s32 @!p0 $0x108  }
0x21: {  	s3 =	sadd.s32 s3, s9;
	s6 =	sadd.s32 @!p0 $0x88, s6;
	s7 =	simm.s32 @p2 $0x1082  }
0x22: {  	[simem:s7], [sflag:s8] =	dma.local @!p0 [hbm:s6], $0xF7A  }
0x23: {  	s9 =	sor.u32 $0xD0000000, s2;
	s6 =	simm.s32 $0x108;
	_ =	swait.ge @!p0 [sflag:s8], $0x0  }
0x24: {  	s3 =	sadd.s32 $0x88, s3;
	s6 =	simm.s32 @!p1 $0x1082;
	[sflag:s4] =	ssyncset.s32 $0xFFFFF086  }
0x25: {  	[simem:s6], [sflag:s4] =	dma.local [hbm:s3], $0xF7A  }
0x26: {  	[smem:$0x3F96] =	sst s1;
	(tag) =	ssettag s2;
	_ =	strace s9  }
0x27: {  	s1 =	sld [smem:$0x3FA6]  }
0x28: {  	s2 =	sld [smem:$0x3FA7]  }
0x29: {  	s4 =	sld [smem:$0x3FA9]  }
0x2a: {  	p0 =	seq.s32 s5, $0x0;
	s5 =	sld [smem:$0x3FAA]  }
0x2b: {  	s6 =	sld [smem:$0x3FAB]  }
0x2c: {  	s7 =	sld [smem:$0x3FAC]  }
0x2d: {  	s3 =	simm.s32 $0x108;
	s8 =	sld [smem:$0x3FAD]  }
0x2e: {  	s3 =	simm.s32 @!p0 $0x1082;
	s9 =	sld [smem:$0x3FAE]  }
0x2f: {  	lr =	sadd.s32 s0, s3;
	s0 =	sld [smem:$0x3FA5]  }
0x30: {  	s3 =	sld [smem:$0x3FA8]  }
0x31: {  	[smem:$0x3FB1] =	sst s10  }
0x32: {  	s10 =	sld [smem:$0x3FAF];
	_ =	sdelay $0x3  }
0x33: {  	p0 =	seq.s32 s10, $0x1;
	s10 =	sld [smem:$0x3FB1];
	_ =	sdelay $0x3  }
0x34: {  	[smem:$0x3FB1] =	sst s10  }
0x35: {  	s10 =	sld [smem:$0x3FB0];
	_ =	sdelay $0x3  }
0x36: {  	p1 =	seq.s32 s10, $0x1;
	s10 =	sld [smem:$0x3FB1];
	_ =	sdelay $0x3  }
0x37: {  	[smem:$0x3FB1] =	sst s10  }
0x38: {  	s10 =	sld [smem:$0x3FB2]  }
0x39: {  	_ = 	snop;
	(pc) =	sbr.ind lr, $3  }
0x3a: {  	_ = 	snop  }
0x3b: {  	_ = 	snop  }
0x3c: {  	p2 =	seq.s32 s10, $0x1;
	s10 =	sld [smem:$0x3FB1]  }
0x3d: {  	_ =	shalt  }
0x3e: {  	_ =	shalt  }
0x3f: {  	_ =	shalt  }
0x40: {  	_ =	shalt  }
0x41: {  	_ =	shalt  }
0x42: {  	_ =	shalt  }
0x43: {  	_ =	shalt  }
0x44: {  	_ =	shalt  }
0x45: {  	_ =	shalt  }
0x46: {  	_ =	shalt  }
0x47: {  	_ =	shalt  }
0x48: {  	_ =	shalt  }
0x49: {  	_ =	shalt  }
0x4a: {  	_ =	shalt  }
0x4b: {  	_ =	shalt  }
0x4c: {  	_ =	shalt  }
0x4d: {  	_ =	shalt  }
0x4e: {  	_ =	shalt  }
0x4f: {  	_ =	shalt  }
0x50: {  	_ =	shalt  }
0x51: {  	_ =	shalt  }
0x52: {  	_ =	shalt  }
0x53: {  	_ =	shalt  }
0x54: {  	_ =	shalt  }
0x55: {  	_ =	shalt  }
0x56: {  	_ =	shalt  }
0x57: {  	_ =	shalt  }
0x58: {  	_ =	shalt  }
0x59: {  	_ =	shalt  }
0x5a: {  	_ =	shalt  }
0x5b: {  	_ =	shalt  }
0x5c: {  	_ =	shalt  }
0x5d: {  	_ =	shalt  }
0x5e: {  	_ =	shalt  }
0x5f: {  	_ =	shalt  }
0x60: {  	_ =	shalt  }
0x61: {  	_ =	shalt  }
0x62: {  	_ =	shalt  }
0x63: {  	_ =	shalt  }
0x64: {  	_ =	shalt  }
0x65: {  	_ =	shalt  }
0x66: {  	_ =	shalt  }
0x67: {  	_ =	shalt  }
0x68: {  	_ =	shalt  }
0x69: {  	_ =	shalt  }
0x6a: {  	_ =	shalt  }
0x6b: {  	_ =	shalt  }
0x6c: {  	_ =	shalt  }
0x6d: {  	_ =	shalt  }
0x6e: {  	_ =	shalt  }
0x6f: {  	_ =	shalt  }
0x70: {  	_ =	shalt  }
0x71: {  	_ =	shalt  }
0x72: {  	_ =	shalt  }
0x73: {  	_ =	shalt  }
0x74: {  	_ =	shalt  }
0x75: {  	_ =	shalt  }
0x76: {  	_ =	shalt  }
0x77: {  	_ =	shalt  }
0x78: {  	_ =	shalt  }
0x79: {  	_ =	shalt  }
0x7a: {  	_ =	shalt  }
0x7b: {  	_ =	shalt  }
0x7c: {  	_ =	shalt  }
0x7d: {  	_ =	shalt  }
0x7e: {  	_ =	shalt  }
0x7f: {  	_ =	shalt  }
0x80: {  	_ =	shalt  }
0x81: {  	_ =	shalt  }
0x82: {  	_ =	shalt  }
0x83: {  	_ =	shalt  }
0x84: {  	_ =	shalt  }
0x85: {  	_ =	shalt  }
0x86: {  	_ =	shalt  }
0x87: {  	_ =	shalt  }
.Lfunc_end0:
.L_simem_size_0:
called_computation_lowered:
.L_overlay_start_0:
0x88: {  	s2 =	sld [smem:$0x3FD9]  }
0x89: {  	s3 =	sld [smem:$0x3FFE];
	_ =	sdelay $0x1  }
0x8a: {  	s1 =	srdreg.scid  }
0x8b: {  	s0 =	sand.u32 $0x1, s1  }
0x8c: {  	s17 =	sshll.u32 s0, $0xA;
	s2 =	sadd.s32 s3, s2  }
0x8d: {  	s2 =	sadd.s32 s2, s17  }
0x8e: {  	[smem:$0x3FBD] =	sst s2  }
0x8f: {  	_ = 	snop  }
0x90: {  	s2 =	sld [smem:$0x3FD0];
	(tm) =	ssettm $0x1  }
0x91: {  	s18 =	sld [smem:$0x3FFB];
	_ =	sdelay $0x3  }
0x92: {  	_ =	strace s18  }
0x93: {  	s3 =	sld [smem:$0x3FFC];
	_ =	sdelay $0x3  }
0x94: {  	_ =	strace s3  }
0x95: {  	s3 =	sld [smem:$0x3FFD];
	_ =	sdelay $0x3  }
0x96: {  	_ =	strace s3  }
0x97: {  	_ =	strace $0x8FFFFFFF  }
0x98: {  	s19 =	sld [smem:$0x3FDB];
	_ =	sdelay $0x1  }
0x99: {  	s4 =	simm.s32 $_scs_section_size  }
0x9a: {  	s5 =	simm.s32 $_size__tile_overlayer_lowered;
	s6 =	simm.s32 $_tile_overlayer_lowered  }
0x9b: {  	s22 =	simm.s32 $0x1BFF;
	s21 =	sshll.u32 s6, $0x1;
	s3 =	sadd.s32 s4, s19  }
0x9c: {  	s7 =	simm.s32 $0x0;
	s20 =	sshll.u32 s5, $0x1;
	s5 =	sadd.s32 s21, s3  }
0x9d: {  	[timem:s7], [sflag:s22] =	dma.local [hbm:s5], s20  }
0x9e: {  	_ =	swait.ge [sflag:s22], s20  }
0x9f: {  	s4 =	ssub.s32 $0x0, s20;
	[sflag:s22] =	ssyncset.done $0x0  }
0xa0: {  	[sflag:s22] =	ssyncadd.s32 s4;
	_ =	sdelay $0x1  }
0xa1: {  	s23 =	simm.s32 $0x1B8B  }
0xa2: {  	_ =	swait.ge [sflag:s23], $0x1  }
0xa3: {  	[sflag:s23] =	ssyncset.done $0x0  }
0xa4: {  	s25 =	simm.s32 $0x1B8E;
	s24 =	sld [smem:$0x3FFE];
	[sflag:s23] =	ssyncadd.s32 $0xFFFFFFFF  }
0xa5: {  	s26 =	simm.s32 $execute0_lowered;
	[smem:$0x3FD2] =	sst s25  }
0xa6: {  	s5 =	sshll.u32 s26, $0x1;
	_ =	strace $0x80000046;
	[dreg:$0x1] =	wrdreg $0xFFFFFFFF  }
0xa7: {  	s28 =	simm.s32 $_size_execute0_lowered;
	s3 =	sadd.s32 s3, s5;
	[dreg:$0x0] =	wrdreg $0x0  }
0xa8: {  	s5 =	sshll.u32 s28, $0x1;
	[dreg:$0x2] =	wrdreg s3  }
0xa9: {  	[dreg:$0x3] =	wrdreg s5  }
0xaa: {  	[dreg:$0x4] =	wrdreg $0xC0  }
0xab: {  	_ =	task [dreg:s7], $0x5FFFF  }
0xac: {  	[dreg:$0x1] =	wrdreg $0xFFFFFFFF  }
0xad: {  	[dreg:$0x0] =	wrdreg $0x60  }
0xae: {  	[dreg:$0x2] =	wrdreg s24  }
0xaf: {  	[dreg:$0x3] =	wrdreg s2  }
0xb0: {  	[dreg:$0x4] =	wrdreg $0x9  }
0xb1: {  	_ =	task.clear_ibuf [dreg:s7], $0x5FFFF;
	_ =	strace $0x90000046  }
0xb2: {  	s29 =	simm.s32 $0x9;
	_ =	strace $0x80000048  }
0xb3: {  	_ =	swait.ge [sflag:s29], $0x1  }
0xb4: {  	[sflag:s29] =	ssyncadd.s32 $0xFFFFFFFF  }
0xb5: {  	_ =	strace $0x90000048  }
0xb6: {  	_ =	sfence  }
0xb7: {  	s30 =	sld [smem:$0x0];
	_ =	sdelay $0x2  }
0xb8: {  	s31 =	sshll.u32 s1, $0xD;
	s1 =	sshrl.u32 s1, $0x2  }
0xb9: {  	s3 =	sand.u32 $0x4000, s31;
	s1 =	sadd.s32 s1, s30  }
0xba: {  	s0 =	sor.u32 s3, s0;
	s1 =	sshll.u32 s1, $0x11  }
0xbb: {  	s0 =	sor.u32 s1, s0  }
0xbc: {  	s0 =	sadd.s32 $0x8F2B, s0  }
0xbd: {  	[sflag:s0] =	ssyncadd.remote.s32 $0x1  }
0xbe: {  	_ =	sfence.sel $0xFFFF  }
0xbf: {  	[dreg:$0x0] =	wrdreg $0xFFFFFFFF;
	(pc) =	sbr.abs _section_cstart, $3  }
0xc0: {  	[dreg:$0x1] =	wrdreg $0xFFFFFFFF  }
0xc1: {  	_ =	task.clear_ibuf [dreg:s7], $0x2FFFF;
	_ =	strace $0x9FFFFFFF  }
0xc2: {  	(tm) =	ssettm $0x7FFFFFFF  }
0xc3: {  	_ =	shalt  }
tec
execute0_lowered:
.L_overlay_start_1:
0x0: {  	(tag) =	ssettag $0x1  }
0x1: {  	s4 =	rddreg [dreg:$0x0]  }
0x2: {  	s5 =	rddreg [dreg:$0x1]  }
0x3: {  	s0 =	rddreg [dreg:$0x2];
	s2 =	simm.s32 $0x0;
	s3 =	srdreg.scid  }
0x4: {  	s1 =	stileid.u32;
	s13 =	simm.s32 $0x400;
	s14 =	simm.s32 $0x8600  }
0x5: {  	s15 =	simm.s32 $0x100;
	s16 =	simm.s32 $0x600;
	s17 =	simm.s32 $0x1  }
0x6: {  	s18 =	simm.s32 $0x0;
	[smem:$0x7FF] =	sst s2;
	s6 =	sand.u32 $0x1, s3  }
0x7: {  	s7 =	sshll.u32 s1, $0xA;
	s3 =	sadd.s32 $0x2200, s4;
	s8 =	sshll.u32 s6, $0x9  }
0x8: {  	_ =	strace $0x80000047;
	s6 =	ssub.s32 $0x2, s6;
	s7 =	sor.u32 s8, s7  }
0x9: {  	s9 =	sshrl.u32 s6, $0x1;
	s8 =	sshrl.u32 s7, $0x3;
	s7 =	sshll.u32 s7, $0x4  }
0xa: {  	s12 =	ssub.s32 s6, s9;
	s10 =	sadd.s32 s8, s4;
	s11 =	sadd.s32 s7, s4  }
0xb: {  	s5 =	sadd.s32 s5, s8;
	s4 =	sadd.s32 $0x6AA00, s10;
	s6 =	sadd.s32 $0x6A200, s10  }
0xc: {  	v1 =	vlaneseq.u32;
	s7 =	sadd.s32 $0x6B200, s11;
	s8 =	sadd.s32 $0x6C200, s11;
	s9 =	sadd.s32 $0xAB200, s11  }
0xd: {  	v0 =	vimm.f32 $0.0e+00;
	v2 =	vimm.f32 $1.000000000e+00;
	v1 =	vmul.u32 $0x80, v1;
	s10 =	smax.u32 s12, $0x1;
	s11 =	simm.s32 $0x2;
	s12 =	simm.s32 $0x200  }
.LBB2_1:
0xe: {  	[tilespmem:s2], [sflag:$0x2] =	stream.linear.gather [hbm4b:s4+s2], $0x200, $0x38;
	[tilespmem:$0x18600] =	vst v63  }
0xf: {  	_ =	swait.ge [sflag:s11], $0x200  }
0x10: {  	[sflag:s11] =	ssyncset.done $0x0  }
0x11: {  	[sflag:s11] =	ssyncadd.s32 $0xFFFFFE00  }
0x12: {  	[tilespmem:s12], [sflag:$0x2] =	stream.linear.gather [hbm4b:s5+s2], $0x200, $0x38;
	[tilespmem:$0x18600] =	vst v63  }
0x13: {  	_ =	swait.ge [sflag:s11], $0x200  }
0x14: {  	[sflag:s11] =	ssyncset.done $0x0  }
0x15: {  	[sflag:s11] =	ssyncadd.s32 $0xFFFFFE00  }
0x16: {  	[tilespmem:s13], [sflag:$0x2] =	stream.linear.gather [hbm4b:s6+s2], $0x200, $0x38;
	[tilespmem:$0x18600] =	vst v63  }
0x17: {  	_ =	swait.ge [sflag:s11], $0x200  }
0x18: {  	[sflag:s11] =	ssyncset.done $0x0  }
0x19: {  	s19 =	simm.s32 $0x0;
	[sflag:s11] =	ssyncadd.s32 $0xFFFFFE00  }
.LBB2_2:
0x1a: {  	p0 =	sne.s32 s19, $0x3FE00  }
.Ltmp0:
0x1b: {  	_ = 	snop;
	(pc) =	sbr.rel @p0 .LBB2_2-.Ltmp0, $3  }
0x1c: {  	_ =	sdelay $0x1  }
0x1d: {  	s20 =	sshra.s32 s19, $0x2  }
0x1e: {  	s19 =	sadd.s32 $0x200, s19;
	[tilespmem:s20+$0x8600] =	vst v0  }
0x1f: {  	s19 =	simm.s32 $0x200  }
0x20: {  	v3 =	vld [tilespmem:s19+$0x0]  }
0x21: {  	s20 =	simm.s32 $0x0  }
0x22: {  	v4 =	vmov s20  }
0x23: {  	v4 =	vshll.u32 v4, $0x7  }
0x24: {  	v4 =	vor.u32 v1, v4  }
0x25: {  	v5 =	vand.u32 $0xF, v3;
	v6 =	vshrl.u32 v3, $0x4;
	v3 =	vshrl.u32 v3, $0x8  }
0x26: {  	v5 =	vor.u32 v4, v5;
	v6 =	vand.u32 $0xF, v6;
	v7 =	vand.u32 $0xFFFF80, v3  }
0x27: {  	v3 =	vand.u32 $0x7F, v3;
	v6 =	vor.u32 v4, v6;
	v7 =	vadd.s32 v4, v7  }
0x28: {  	v3 =	vor.u32 v3, v7;
	_ =	sdelay $0x2  }
0x29: {  	[tilespmem:v5+s14+$0x0] =	vst.idx.msk $0xffff, v2  }
0x2a: {  	[tilespmem:v6+s14+$0x0] =	vst.idx.msk $0xffff, v2  }
0x2b: {  	s20 =	simm.s32 $0x400;
	[tilespmem:v3+s14+$0x0] =	vst.idx.msk $0xffff, v2  }
0x2c: {  	s21 =	simm.s32 $0x10;
	v3 =	vor.u32 $0xE, v4;
	v4 =	vld [tilespmem:s20+$0x0]  }
.LBB2_4:
0x2d: {  	_ =	sdelay $0x1  }
0x2e: {  	p0 =	sne.s32 s21, $0x1F0;
	s19 =	sadd.s32 $0x10, s19;
	s20 =	sadd.s32 $0x10, s20  }
0x2f: {  	s22 =	smov.u32 s21;
	s21 =	sadd.s32 $0x10, s21  }
0x30: {  	[tilespmem:v3+s14+$0x0] =	vst.idx.msk $0xffff, v4  }
0x31: {  	v3 =	vld [tilespmem:s19+$0x0]  }
0x32: {  	v4 =	vmov s22  }
0x33: {  	v4 =	vshll.u32 v4, $0x7;
	_ =	sdelay $0x1  }
0x34: {  	v4 =	vor.u32 v1, v4  }
0x35: {  	v5 =	vand.u32 $0xF, v3;
	v6 =	vshrl.u32 v3, $0x4;
	v3 =	vshrl.u32 v3, $0x8  }
0x36: {  	v5 =	vor.u32 v4, v5;
	v6 =	vand.u32 $0xF, v6;
	v7 =	vand.u32 $0xFFFF80, v3  }
0x37: {  	v3 =	vand.u32 $0x7F, v3;
	v6 =	vor.u32 v4, v6;
	v7 =	vadd.s32 v4, v7  }
0x38: {  	v7 =	vor.u32 v3, v7;
	_ =	sdelay $0x1  }
.Ltmp1:
0x39: {  	(pc) =	sbr.rel @p0 .LBB2_4-.Ltmp1, $4  }
0x3a: {  	[tilespmem:v5+s14+$0x0] =	vst.idx.msk $0xffff, v2  }
0x3b: {  	v3 =	vor.u32 $0xE, v4;
	[tilespmem:v6+s14+$0x0] =	vst.idx.msk $0xffff, v2  }
0x3c: {  	[tilespmem:v7+s14+$0x0] =	vst.idx.msk $0xffff, v2  }
0x3d: {  	v4 =	vld [tilespmem:s20+$0x0]  }
0x3e: {  	_ =	sdelay $0x3  }
0x3f: {  	[tilespmem:v3+s14+$0x0] =	vst.idx.msk $0xffff, v4  }
0x40: {  	[tilespmem:s16], [sflag:$0x1] =	stream.indirect.gather [hbm4b:s3+s15], $0x80, s2, s15, $0xb8;
	[tilespmem:$0x18600] =	vst v63  }
0x41: {  	_ =	swait.ge [sflag:s17], $0x8000  }
0x42: {  	[sflag:s17] =	ssyncset.done $0x0  }
0x43: {  	[sflag:s17] =	ssyncadd.s32 $0xFFFF8000  }
0x44: {  	[hbm4b:s7+s2] =	stream.linear.scatter [tilespmem:s16], [sflag:$0x2], $0x8000, $0x38;
	[tilespmem:$0x18600] =	vst v63  }
0x45: {  	_ =	swait.ge [sflag:s11], $0x8000  }
0x46: {  	[sflag:s11] =	ssyncset.done $0x0  }
0x47: {  	[sflag:s11] =	ssyncadd.s32 $0xFFFF8000  }
0x48: {  	[tilespmem:s16], [sflag:$0x1] =	stream.indirect.gather [hbm4b:s3+s15], $0x80, s15, s15, $0xb8;
	[tilespmem:$0x18600] =	vst v63  }
0x49: {  	_ =	swait.ge [sflag:s17], $0x8000  }
0x4a: {  	[sflag:s17] =	ssyncset.done $0x0  }
0x4b: {  	[sflag:s17] =	ssyncadd.s32 $0xFFFF8000  }
0x4c: {  	[hbm4b:s8+s2] =	stream.linear.scatter [tilespmem:s16], [sflag:$0x2], $0x8000, $0x38;
	[tilespmem:$0x18600] =	vst v63  }
0x4d: {  	s18 =	sadd.s32 $0x1, s18;
	_ =	swait.ge [sflag:s11], $0x8000  }
0x4e: {  	p0 =	sne.s32 s18, s10;
	[sflag:s11] =	ssyncset.done $0x0  }
.Ltmp2:
0x4f: {  	[sflag:s11] =	ssyncadd.s32 $0xFFFF8000;
	(pc) =	sbr.rel @p0 .LBB2_1-.Ltmp2, $4  }
0x50: {  	[hbm4b:s9+s2] =	stream.linear.scatter [tilespmem:s14], [sflag:$0x2], $0x10000, $0x38;
	[tilespmem:$0x18600] =	vst v63  }
0x51: {  	_ =	swait.ge [sflag:s11], $0x10000  }
0x52: {  	[sflag:s11] =	ssyncset.done $0x0  }
0x53: {  	[sflag:s11] =	ssyncadd.s32 $0xFFFF0000  }
0x54: {  	_ =	sfence.sel $0x180000  }
0x55: {  	[bflag:$0x0] =	sbarrier.arrive $0xFFFF  }
0x56: {  	p0 =	sne.s32 s1, $0x0;
	_ =	strace $0x90000047  }
0x57: {  	s0 =	sadd.s32 @!p0 $0x100000, s0;
	[bflag:$0x2] =	sbarrier.arrive $0xFFFF  }
0x58: {  	[sflag:s0] =	ssyncadd.tile.s32 @!p0 $0x1;
	_ =	shalt  }
.Lfunc_end2:
_tile_overlayer_lowered:
.L_overlay_start_2:
0x59: {  	(tag) =	ssettag $0x2  }
0x5a: {  	s0 =	rddreg [dreg:$0x0];
	s2 =	stileid.u32  }
0x5b: {  	s1 =	rddreg [dreg:$0x1];
	p0 =	sne.s32 s2, $0x0  }
0x5c: {  	s3 =	rddreg [dreg:$0x2];
	[bflag:$0x3] =	sbarrier.arrive $0xFFFF;
	s2 =	simm.s32 @!p0 $0x1C02  }
0x5d: {  	[timem:s3], [sflag:s2] =	dma.local @!p0 [hbm:s0], s1  }
0x5e: {  	s0 =	simm.s32 @!p0 $0x2  }
0x5f: {  	_ =	swait.ge @!p0 [sflag:s0], s1  }
0x60: {  	s1 =	ssub.s32 @!p0 $0x0, s1;
	[sflag:s0] =	ssyncset.done @!p0 $0x0  }
0x61: {  	[sflag:s0] =	ssyncadd.s32 @!p0 s1  }
0x62: {  	[bflag:$0x3] =	sbarrier.arrive $0xFFFF  }
0x63: {  	_ =	shalt  }

</sc_bundles>
